<compile_context>
chip_gen: v7x
topology: tpu7x:2x2x1
jax: 0.10.2.dev20260603
libtpu: 0.0.44.dev20260713+nightly
codegen_flags: <defaults>
</compile_context>

<pallas_src>
import functools

import jax
import jax.numpy as jnp
from jax import lax
from jax.experimental import pallas as pl
from jax.experimental.pallas import tpu as pltpu
from jax.experimental.pallas import tpu_sc as plsc

B = 1024
V = 100000
NC = 2
NS = 16
L = 16
NW = NC * NS
PER = B // NW

_mesh = plsc.VectorSubcoreMesh(core_axis_name="c", subcore_axis_name="s")


@functools.partial(
    pl.kernel,
    out_type=jax.ShapeDtypeStruct((NC * L,), jnp.float32),
    mesh=_mesh,
    compiler_params=pltpu.CompilerParams(
        needs_layout_passes=False, use_tc_tiling_on_sc=True),
    scratch_types=[
        pltpu.VMEM((PER,), jnp.int32),
        pltpu.VMEM((PER, 128), jnp.float32),
        pltpu.VMEM((PER,), jnp.float32),
        pltpu.VMEM((NS * L,), jnp.float32),
        pltpu.VMEM((L,), jnp.float32),
        pltpu.VMEM_SHARED((NS * L,), jnp.float32),
        pltpu.SemaphoreType.DMA,
    ],
)
def _nll_sc(xt_hbm, tgt_hbm, out_hbm, idx_v, rows_v, diag_v, buf_v, out_v,
            shared, sem):
    cid = lax.axis_index("c")
    sid = lax.axis_index("s")
    wid = sid * NC + cid
    base = wid * PER

    cb = (wid // 4) * 128
    pltpu.sync_copy(tgt_hbm.at[pl.ds(base, PER)], idx_v)
    pltpu.async_copy(xt_hbm.at[idx_v, pl.ds(cb, 128)], rows_v, sem).wait()

    part = None
    for j in range(PER // L):
        rid = j * L + lax.iota(jnp.int32, L)
        cid_col = (wid % 4) * PER + rid
        vals = plsc.load_gather(rows_v, [rid, cid_col])
        part = vals if part is None else part + vals
    diag_v[pl.ds(0, L)] = part
    pltpu.sync_copy(diag_v.at[pl.ds(0, L)], shared.at[pl.ds(sid * L, L)])

    plsc.subcore_barrier()

    @pl.when(sid == 0)
    def _():
        pltpu.sync_copy(shared, buf_v)
        acc = buf_v[pl.ds(0, L)]
        for r in range(1, NS):
            acc = acc + buf_v[pl.ds(r * L, L)]
        out_v[...] = plsc.cumsum(acc * (-1.0 / B))
        pltpu.sync_copy(out_v, out_hbm.at[pl.ds(cid * L, L)])


def kernel(input_tensor, target_tensor):
    out = _nll_sc(input_tensor.T, target_tensor.astype(jnp.int32))
    return out[L - 1] + out[NC * L - 1]

# --- scband reference (transcript-rebuilt; emitter-appended) ---
"""Pipeline reference for scband-negative-log-likelihood-89953795047619 (READ-ONLY COPY).

The authoritative reference and input builder live on the scoring server;
editing this copy changes nothing except your own understanding.
"""

import jax, jax.numpy as jnp
import numpy as np

def setup_inputs(seed: int = 0) -> dict:
    key = jax.random.key(seed)
    k1, k2 = jax.random.split(key)
    input_tensor = jax.random.normal(k1, (1024, 100000), dtype=jnp.float32)
    target_tensor = jax.random.randint(k2, (1024,), 0, 100000, dtype=jnp.int64 if jax.config.jax_enable_x64 else jnp.int32)
    return {"input_tensor": input_tensor, "target_tensor": target_tensor}

def reference(input_tensor, target_tensor):
    # -input[range(B), target].mean()
    gathered = jnp.take_along_axis(input_tensor, target_tensor[:, None], axis=1)[:, 0]
    return -gathered.mean()

if __name__ == "__main__":
    import jax
    _d = setup_inputs()
    print(jax.jit(kernel)(*tuple(_d.values())))

</pallas_src>

<mosaic_0001>
#map = affine_map<(d0, d1) -> (0, 0)>
#map1 = affine_map<(d0, d1) -> (0)>
module attributes {stable_mosaic.version = 14 : i64} {
  func.func @_nll_sc(%arg0: i32, %arg1: i32, %arg2: memref<100000x1024xf32, #tpu.memory_space<hbm>>, %arg3: memref<1024xi32, #tpu.memory_space<hbm>>, %arg4: memref<32xf32, #tpu.memory_space<hbm>>, %arg5: memref<32xi32, #tpu.memory_space<vmem>>, %arg6: memref<32x128xf32, #tpu.memory_space<vmem>>, %arg7: memref<32xf32, #tpu.memory_space<vmem>>, %arg8: memref<256xf32, #tpu.memory_space<vmem>>, %arg9: memref<16xf32, #tpu.memory_space<vmem>>, %arg10: memref<256xf32, #tpu.memory_space<vmem_shared>>, %arg11: memref<!tpu.dma_semaphore, #tpu.memory_space<semaphore_mem>>) attributes {dimension_semantics = [#tpu.dimension_semantics<core_parallel>, #tpu.dimension_semantics<subcore_parallel>], iteration_bounds = array<i64: 2, 16>, scalar_prefetch = 0 : i64, scratch_operands = 7 : i64, tpu.core_type = #tpu.core_type<sc_vector_subcore>, window_params = [{transform_indices = #map}, {transform_indices = #map1}, {transform_indices = #map1}]} {
    %mul3A = arith.constant 2 : i32
    %mul3A_0 = arith.muli %arg1, %mul3A : i32
    %add3A = arith.addi %mul3A_0, %arg0 : i32
    %mul3A_1 = arith.constant 32 : i32
    %mul3A_2 = arith.muli %add3A, %mul3A_1 : i32
    %jit3A = arith.constant 4 : i32
    %div3A = arith.divsi %add3A, %jit3A : i32
    %sign3A = arith.constant 0 : i32
    %sign3A_3 = arith.cmpi sgt, %add3A, %sign3A : i32
    %sign3A_4 = arith.extui %sign3A_3 : i1 to i32
    %sign3A_5 = arith.constant 0 : i32
    %sign3A_6 = arith.cmpi slt, %add3A, %sign3A_5 : i32
    %sign3A_7 = arith.extui %sign3A_6 : i1 to i32
    %sign3A_8 = arith.subi %sign3A_4, %sign3A_7 : i32
    %sign3A_9 = arith.constant 0 : i32
    %sign3A_10 = arith.cmpi sgt, %jit3A, %sign3A_9 : i32
    %sign3A_11 = arith.extui %sign3A_10 : i1 to i32
    %sign3A_12 = arith.constant 0 : i32
    %sign3A_13 = arith.cmpi slt, %jit3A, %sign3A_12 : i32
    %sign3A_14 = arith.extui %sign3A_13 : i1 to i32
    %sign3A_15 = arith.subi %sign3A_11, %sign3A_14 : i32
    %ne3A = arith.cmpi ne, %sign3A_8, %sign3A_15 : i32
    %rem3A = arith.remsi %add3A, %jit3A : i32
    %ne3A_16 = arith.constant 0 : i32
    %ne3A_17 = arith.cmpi ne, %rem3A, %ne3A_16 : i32
    %and3A = arith.andi %ne3A, %ne3A_17 : i1
    %sub3A = arith.constant 1 : i32
    %sub3A_18 = arith.subi %div3A, %sub3A : i32
    %select_n3A = arith.select %and3A, %sub3A_18, %div3A : i32
    %mul3A_19 = arith.constant 128 : i32
    %mul3A_20 = arith.muli %select_n3A, %mul3A_19 : i32
    "tpu.region"() ({
      %run_scoped3A = tpu.sem_alloc : memref<!tpu.dma_semaphore, #tpu.memory_space<semaphore_mem>>
      %dma_start3A_76 = tpu.memref_slice %arg3[%mul3A_2] : memref<1024xi32, #tpu.memory_space<hbm>> -> memref<32xi32, #tpu.memory_space<hbm>>
      %dma_start3A_77 = tpu.memref_slice %arg3[%mul3A_2] : memref<1024xi32, #tpu.memory_space<hbm>> -> memref<32xi32, #tpu.memory_space<hbm>>
      tpu.enqueue_dma source(%dma_start3A_77 : memref<32xi32, #tpu.memory_space<hbm>>) target(%arg5 : memref<32xi32, #tpu.memory_space<vmem>>) target_semaphore(%run_scoped3A : memref<!tpu.dma_semaphore, #tpu.memory_space<semaphore_mem>>)
      %dma_wait3A_78 = tpu.memref_slice %arg3[%mul3A_2] : memref<1024xi32, #tpu.memory_space<hbm>> -> memref<32xi32, #tpu.memory_space<hbm>>
      %dma_wait3A_79 = tpu.memref_slice %arg3[%mul3A_2] : memref<1024xi32, #tpu.memory_space<hbm>> -> memref<32xi32, #tpu.memory_space<hbm>>
      tpu.wait_dma2 semaphore(%run_scoped3A : memref<!tpu.dma_semaphore, #tpu.memory_space<semaphore_mem>>) src(%dma_wait3A_79 : memref<32xi32, #tpu.memory_space<hbm>>) dst(%arg5 : memref<32xi32, #tpu.memory_space<vmem>>)
      tpu.yield
    }) : () -> ()
    %dma_start3A = arith.constant 0 : i32
    %dma_start3A_21 = tpu.memref_slice %arg2[%dma_start3A, %mul3A_20] : memref<100000x1024xf32, #tpu.memory_space<hbm>> -> memref<100000x128xf32, #tpu.memory_space<hbm>>
    tpu.enqueue_indirect_dma source(%dma_start3A_21 : memref<100000x128xf32, #tpu.memory_space<hbm>>) target(%arg6 : memref<32x128xf32, #tpu.memory_space<vmem>>) offsets(%arg5 : memref<32xi32, #tpu.memory_space<vmem>>) semaphore(%arg11 : memref<!tpu.dma_semaphore, #tpu.memory_space<semaphore_mem>>)
    %dma_wait3A = arith.constant 0 : i32
    %dma_wait3A_22 = tpu.memref_slice %arg2[%dma_wait3A, %mul3A_20] : memref<100000x1024xf32, #tpu.memory_space<hbm>> -> memref<100000x128xf32, #tpu.memory_space<hbm>>
    tpu.wait_indirect_dma semaphore(%arg11 : memref<!tpu.dma_semaphore, #tpu.memory_space<semaphore_mem>>) src(%dma_wait3A_22 : memref<100000x128xf32, #tpu.memory_space<hbm>>) dst(%arg6 : memref<32x128xf32, #tpu.memory_space<vmem>>)
    %iota3A = tpu.iota {dimensions = array<i32: 0>} : vector<16xi32>
    %add3A_23 = arith.constant 0 : i32
    %add3A_24 = vector.broadcast %add3A_23 : i32 to vector<16xi32>
    %add3A_25 = arith.addi %add3A_24, %iota3A : vector<16xi32>
    %jit3A_26 = arith.constant 4 : i32
    %eq3A = arith.constant 0 : i32
    %eq3A_27 = arith.cmpi eq, %jit3A_26, %eq3A : i32
    %jit3A_28 = arith.constant 1 : i32
    %select_n3A_29 = arith.select %eq3A_27, %jit3A_28, %jit3A_26 : i32
    %rem3A_30 = arith.remsi %add3A, %select_n3A_29 : i32
    %ne3A_31 = arith.constant 0 : i32
    %ne3A_32 = arith.cmpi ne, %rem3A_30, %ne3A_31 : i32
    %lt3A = arith.constant 0 : i32
    %lt3A_33 = arith.cmpi slt, %rem3A_30, %lt3A : i32
    %lt3A_34 = arith.constant 0 : i32
    %lt3A_35 = arith.cmpi slt, %select_n3A_29, %lt3A_34 : i32
    %ne3A_36 = arith.xori %lt3A_33, %lt3A_35 : i1
    %and3A_37 = arith.andi %ne3A_36, %ne3A_32 : i1
    %add3A_38 = arith.addi %rem3A_30, %select_n3A_29 : i32
    %select_n3A_39 = arith.select %and3A_37, %add3A_38, %rem3A_30 : i32
    %mul3A_40 = arith.constant 32 : i32
    %mul3A_41 = arith.muli %select_n3A_39, %mul3A_40 : i32
    %add3A_42 = vector.broadcast %mul3A_41 : i32 to vector<16xi32>
    %add3A_43 = arith.addi %add3A_42, %add3A_25 : vector<16xi32>
    %gather3A = tpu.vector_load_idx %arg6[%add3A_25, %add3A_43] : memref<32x128xf32, #tpu.memory_space<vmem>>[vector<16xi32>, vector<16xi32>], vector<16xf32>,
    %iota3A_44 = tpu.iota {dimensions = array<i32: 0>} : vector<16xi32>
    %add3A_45 = arith.constant 16 : i32
    %add3A_46 = vector.broadcast %add3A_45 : i32 to vector<16xi32>
    %add3A_47 = arith.addi %add3A_46, %iota3A_44 : vector<16xi32>
    %jit3A_48 = arith.constant 4 : i32
    %eq3A_49 = arith.constant 0 : i32
    %eq3A_50 = arith.cmpi eq, %jit3A_48, %eq3A_49 : i32
    %jit3A_51 = arith.constant 1 : i32
    %select_n3A_52 = arith.select %eq3A_50, %jit3A_51, %jit3A_48 : i32
    %rem3A_53 = arith.remsi %add3A, %select_n3A_52 : i32
    %ne3A_54 = arith.constant 0 : i32
    %ne3A_55 = arith.cmpi ne, %rem3A_53, %ne3A_54 : i32
    %lt3A_56 = arith.constant 0 : i32
    %lt3A_57 = arith.cmpi slt, %rem3A_53, %lt3A_56 : i32
    %lt3A_58 = arith.constant 0 : i32
    %lt3A_59 = arith.cmpi slt, %select_n3A_52, %lt3A_58 : i32
    %ne3A_60 = arith.xori %lt3A_57, %lt3A_59 : i1
    %and3A_61 = arith.andi %ne3A_60, %ne3A_55 : i1
    %add3A_62 = arith.addi %rem3A_53, %select_n3A_52 : i32
    %select_n3A_63 = arith.select %and3A_61, %add3A_62, %rem3A_53 : i32
    %mul3A_64 = arith.constant 32 : i32
    %mul3A_65 = arith.muli %select_n3A_63, %mul3A_64 : i32
    %add3A_66 = vector.broadcast %mul3A_65 : i32 to vector<16xi32>
    %add3A_67 = arith.addi %add3A_66, %add3A_47 : vector<16xi32>
    %gather3A_68 = tpu.vector_load_idx %arg6[%add3A_47, %add3A_67] : memref<32x128xf32, #tpu.memory_space<vmem>>[vector<16xi32>, vector<16xi32>], vector<16xf32>,
    %add3A_69 = arith.addf %gather3A, %gather3A_68 : vector<16xf32>
    %swap3A = arith.constant 0 : index
    %swap3A_70 = tpu.vector_load %arg7[%swap3A] {strides = array<i32>} : memref<32xf32, #tpu.memory_space<vmem>>, vector<16xf32>,
    tpu.vector_store %arg7[%swap3A], %add3A_69 {strides = array<i32>} : memref<32xf32, #tpu.memory_space<vmem>>, vector<16xf32>,
    %mul3A_71 = arith.constant 16 : i32
    %mul3A_72 = arith.muli %arg1, %mul3A_71 : i32
    "tpu.region"() ({
      %run_scoped3A = tpu.sem_alloc : memref<!tpu.dma_semaphore, #tpu.memory_space<semaphore_mem>>
      %dma_start3A_76 = arith.constant 0 : i32
      %dma_start3A_77 = tpu.memref_slice %arg7[%dma_start3A_76] : memref<32xf32, #tpu.memory_space<vmem>> -> memref<16xf32, #tpu.memory_space<vmem>>
      %dma_start3A_78 = tpu.memref_slice %arg10[%mul3A_72] : memref<256xf32, #tpu.memory_space<vmem_shared>> -> memref<16xf32, #tpu.memory_space<vmem_shared>>
      %dma_start3A_79 = tpu.memref_slice %arg10[%mul3A_72] : memref<256xf32, #tpu.memory_space<vmem_shared>> -> memref<16xf32, #tpu.memory_space<vmem_shared>>
      %dma_start3A_80 = arith.constant 0 : i32
      %dma_start3A_81 = tpu.memref_slice %arg7[%dma_start3A_80] : memref<32xf32, #tpu.memory_space<vmem>> -> memref<16xf32, #tpu.memory_space<vmem>>
      tpu.enqueue_dma source(%dma_start3A_81 : memref<16xf32, #tpu.memory_space<vmem>>) target(%dma_start3A_79 : memref<16xf32, #tpu.memory_space<vmem_shared>>) target_semaphore(%run_scoped3A : memref<!tpu.dma_semaphore, #tpu.memory_space<semaphore_mem>>)
      %dma_wait3A_82 = arith.constant 0 : i32
      %dma_wait3A_83 = tpu.memref_slice %arg7[%dma_wait3A_82] : memref<32xf32, #tpu.memory_space<vmem>> -> memref<16xf32, #tpu.memory_space<vmem>>
      %dma_wait3A_84 = tpu.memref_slice %arg10[%mul3A_72] : memref<256xf32, #tpu.memory_space<vmem_shared>> -> memref<16xf32, #tpu.memory_space<vmem_shared>>
      %dma_wait3A_85 = tpu.memref_slice %arg10[%mul3A_72] : memref<256xf32, #tpu.memory_space<vmem_shared>> -> memref<16xf32, #tpu.memory_space<vmem_shared>>
      %dma_wait3A_86 = arith.constant 0 : i32
      %dma_wait3A_87 = tpu.memref_slice %arg7[%dma_wait3A_86] : memref<32xf32, #tpu.memory_space<vmem>> -> memref<16xf32, #tpu.memory_space<vmem>>
      tpu.wait_dma2 semaphore(%run_scoped3A : memref<!tpu.dma_semaphore, #tpu.memory_space<semaphore_mem>>) src(%dma_wait3A_87 : memref<16xf32, #tpu.memory_space<vmem>>) dst(%dma_wait3A_85 : memref<16xf32, #tpu.memory_space<vmem_shared>>)
      tpu.yield
    }) : () -> ()
    %barrier3A = arith.constant 0 : index
    tpu.barrier barrier_id(%barrier3A)
    %eq3A_73 = arith.constant 0 : i32
    %eq3A_74 = arith.cmpi eq, %arg1, %eq3A_73 : i32
    %convert_element_type3A = arith.extui %eq3A_74 : i1 to i32
    %cond3A = arith.constant 0 : i32
    %cond3A_75 = arith.cmpi ne, %convert_element_type3A, %cond3A : i32
    scf.if %cond3A_75 {
      "tpu.region"() ({
        %run_scoped3A = tpu.sem_alloc : memref<!tpu.dma_semaphore, #tpu.memory_space<semaphore_mem>>
        tpu.enqueue_dma source(%arg10 : memref<256xf32, #tpu.memory_space<vmem_shared>>) target(%arg8 : memref<256xf32, #tpu.memory_space<vmem>>) target_semaphore(%run_scoped3A : memref<!tpu.dma_semaphore, #tpu.memory_space<semaphore_mem>>)
        tpu.wait_dma2 semaphore(%run_scoped3A : memref<!tpu.dma_semaphore, #tpu.memory_space<semaphore_mem>>) src(%arg10 : memref<256xf32, #tpu.memory_space<vmem_shared>>) dst(%arg8 : memref<256xf32, #tpu.memory_space<vmem>>)
        tpu.yield
      }) : () -> ()
      %get3A = arith.constant 0 : index
      %get3A_76 = tpu.vector_load %arg8[%get3A] {strides = array<i32>} : memref<256xf32, #tpu.memory_space<vmem>>, vector<16xf32>,
      %get3A_77 = arith.constant 16 : index
      %get3A_78 = tpu.vector_load %arg8[%get3A_77] {strides = array<i32>} : memref<256xf32, #tpu.memory_space<vmem>>, vector<16xf32>,
      %add3A_79 = arith.addf %get3A_76, %get3A_78 : vector<16xf32>
      %get3A_80 = arith.constant 32 : index
      %get3A_81 = tpu.vector_load %arg8[%get3A_80] {strides = array<i32>} : memref<256xf32, #tpu.memory_space<vmem>>, vector<16xf32>,
      %add3A_82 = arith.addf %add3A_79, %get3A_81 : vector<16xf32>
      %get3A_83 = arith.constant 48 : index
      %get3A_84 = tpu.vector_load %arg8[%get3A_83] {strides = array<i32>} : memref<256xf32, #tpu.memory_space<vmem>>, vector<16xf32>,
      %add3A_85 = arith.addf %add3A_82, %get3A_84 : vector<16xf32>
      %get3A_86 = arith.constant 64 : index
      %get3A_87 = tpu.vector_load %arg8[%get3A_86] {strides = array<i32>} : memref<256xf32, #tpu.memory_space<vmem>>, vector<16xf32>,
      %add3A_88 = arith.addf %add3A_85, %get3A_87 : vector<16xf32>
      %get3A_89 = arith.constant 80 : index
      %get3A_90 = tpu.vector_load %arg8[%get3A_89] {strides = array<i32>} : memref<256xf32, #tpu.memory_space<vmem>>, vector<16xf32>,
      %add3A_91 = arith.addf %add3A_88, %get3A_90 : vector<16xf32>
      %get3A_92 = arith.constant 96 : index
      %get3A_93 = tpu.vector_load %arg8[%get3A_92] {strides = array<i32>} : memref<256xf32, #tpu.memory_space<vmem>>, vector<16xf32>,
      %add3A_94 = arith.addf %add3A_91, %get3A_93 : vector<16xf32>
      %get3A_95 = arith.constant 112 : index
      %get3A_96 = tpu.vector_load %arg8[%get3A_95] {strides = array<i32>} : memref<256xf32, #tpu.memory_space<vmem>>, vector<16xf32>,
      %add3A_97 = arith.addf %add3A_94, %get3A_96 : vector<16xf32>
      %get3A_98 = arith.constant 128 : index
      %get3A_99 = tpu.vector_load %arg8[%get3A_98] {strides = array<i32>} : memref<256xf32, #tpu.memory_space<vmem>>, vector<16xf32>,
      %add3A_100 = arith.addf %add3A_97, %get3A_99 : vector<16xf32>
      %get3A_101 = arith.constant 144 : index
      %get3A_102 = tpu.vector_load %arg8[%get3A_101] {strides = array<i32>} : memref<256xf32, #tpu.memory_space<vmem>>, vector<16xf32>,
      %add3A_103 = arith.addf %add3A_100, %get3A_102 : vector<16xf32>
      %get3A_104 = arith.constant 160 : index
      %get3A_105 = tpu.vector_load %arg8[%get3A_104] {strides = array<i32>} : memref<256xf32, #tpu.memory_space<vmem>>, vector<16xf32>,
      %add3A_106 = arith.addf %add3A_103, %get3A_105 : vector<16xf32>
      %get3A_107 = arith.constant 176 : index
      %get3A_108 = tpu.vector_load %arg8[%get3A_107] {strides = array<i32>} : memref<256xf32, #tpu.memory_space<vmem>>, vector<16xf32>,
      %add3A_109 = arith.addf %add3A_106, %get3A_108 : vector<16xf32>
      %get3A_110 = arith.constant 192 : index
      %get3A_111 = tpu.vector_load %arg8[%get3A_110] {strides = array<i32>} : memref<256xf32, #tpu.memory_space<vmem>>, vector<16xf32>,
      %add3A_112 = arith.addf %add3A_109, %get3A_111 : vector<16xf32>
      %get3A_113 = arith.constant 208 : index
      %get3A_114 = tpu.vector_load %arg8[%get3A_113] {strides = array<i32>} : memref<256xf32, #tpu.memory_space<vmem>>, vector<16xf32>,
      %add3A_115 = arith.addf %add3A_112, %get3A_114 : vector<16xf32>
      %get3A_116 = arith.constant 224 : index
      %get3A_117 = tpu.vector_load %arg8[%get3A_116] {strides = array<i32>} : memref<256xf32, #tpu.memory_space<vmem>>, vector<16xf32>,
      %add3A_118 = arith.addf %add3A_115, %get3A_117 : vector<16xf32>
      %get3A_119 = arith.constant 240 : index
      %get3A_120 = tpu.vector_load %arg8[%get3A_119] {strides = array<i32>} : memref<256xf32, #tpu.memory_space<vmem>>, vector<16xf32>,
      %add3A_121 = arith.addf %add3A_118, %get3A_120 : vector<16xf32>
      %mul3A_122 = arith.constant -9.765625E-4 : f32
      %mul3A_123 = vector.broadcast %mul3A_122 : f32 to vector<16xf32>
      %mul3A_124 = arith.mulf %add3A_121, %mul3A_123 : vector<16xf32>
      %broadcast_in_dim3A = arith.constant true
      %broadcast_in_dim3A_125 = vector.broadcast %broadcast_in_dim3A : i1 to vector<16xi1>
      %masked_cumsum3A = tpu.scan <sum>, %mul3A_124 masked %broadcast_in_dim3A_125 : vector<16xf32>, vector<16xi1> -> vector<16xf32>
      %swap3A_126 = arith.constant 0 : index
      %swap3A_127 = tpu.vector_load %arg9[%swap3A_126] {strides = array<i32>} : memref<16xf32, #tpu.memory_space<vmem>>, vector<16xf32>,
      tpu.vector_store %arg9[%swap3A_126], %masked_cumsum3A {strides = array<i32>} : memref<16xf32, #tpu.memory_space<vmem>>, vector<16xf32>,
      %mul3A_128 = arith.constant 16 : i32
      %mul3A_129 = arith.muli %arg0, %mul3A_128 : i32
      "tpu.region"() ({
        %run_scoped3A = tpu.sem_alloc : memref<!tpu.dma_semaphore, #tpu.memory_space<semaphore_mem>>
        %dma_start3A_130 = tpu.memref_slice %arg4[%mul3A_129] : memref<32xf32, #tpu.memory_space<hbm>> -> memref<16xf32, #tpu.memory_space<hbm>>
        %dma_start3A_131 = tpu.memref_slice %arg4[%mul3A_129] : memref<32xf32, #tpu.memory_space<hbm>> -> memref<16xf32, #tpu.memory_space<hbm>>
        tpu.enqueue_dma source(%arg9 : memref<16xf32, #tpu.memory_space<vmem>>) target(%dma_start3A_131 : memref<16xf32, #tpu.memory_space<hbm>>) target_semaphore(%run_scoped3A : memref<!tpu.dma_semaphore, #tpu.memory_space<semaphore_mem>>)
        %dma_wait3A_132 = tpu.memref_slice %arg4[%mul3A_129] : memref<32xf32, #tpu.memory_space<hbm>> -> memref<16xf32, #tpu.memory_space<hbm>>
        %dma_wait3A_133 = tpu.memref_slice %arg4[%mul3A_129] : memref<32xf32, #tpu.memory_space<hbm>> -> memref<16xf32, #tpu.memory_space<hbm>>
        tpu.wait_dma2 semaphore(%run_scoped3A : memref<!tpu.dma_semaphore, #tpu.memory_space<semaphore_mem>>) src(%arg9 : memref<16xf32, #tpu.memory_space<vmem>>) dst(%dma_wait3A_133 : memref<16xf32, #tpu.memory_space<hbm>>)
        tpu.yield
      }) : () -> ()
    } else {
    }
    return
  }
}

</mosaic_0001>

<sc_bundles>
// kernel: kernel.3.cloned.1.call-start
scs
__scs_entry_jumppad:
0x0: {  	(pc) =	sbr.rel $0x88, $3  }
0x1: {  	(tag) =	ssettag $0x0;
	lr =	simm.s32 $0x1  }
0x2: {  	[smem:$0x3F9F] =	sst lr;
	_ =	strace $0xD0000000  }
0x3: {  	_ = 	snop  }
0x4: {  	_ = 	snop  }
0x5: {  	_ = 	snop  }
0x6: {  	_ = 	snop  }
0x7: {  	_ = 	snop  }
__scs_overlays_trampoline_lowered:
0x8: {  	[smem:$0x3FAE] =	sst s0  }
0x9: {  	[smem:$0x3FAF] =	sst s1  }
0xa: {  	[smem:$0x3FB0] =	sst s2  }
0xb: {  	[smem:$0x3FB1] =	sst s3  }
0xc: {  	[smem:$0x3FB2] =	sst s4  }
0xd: {  	[smem:$0x3FB3] =	sst s5  }
0xe: {  	[smem:$0x3FB4] =	sst s6  }
0xf: {  	[smem:$0x3FB5] =	sst s7  }
0x10: {  	[smem:$0x3FB6] =	sst s8  }
0x11: {  	[smem:$0x3FB7] =	sst s9;
	s0 =	simm.s32 @!p0 $0x0  }
0x12: {  	s1 =	sld [smem:$0x3F9D];
	s0 =	simm.s32 @p0 $0x1  }
0x13: {  	[smem:$0x3FB8] =	sst s0;
	s0 =	simm.s32 @!p1 $0x0  }
0x14: {  	s2 =	sld [smem:$0x3F9C];
	s0 =	simm.s32 @p1 $0x1  }
0x15: {  	[smem:$0x3FB9] =	sst s0;
	s0 =	simm.s32 @!p2 $0x0  }
0x16: {  	s3 =	sld [smem:$0x3FDB];
	s0 =	simm.s32 @p2 $0x1  }
0x17: {  	s4 =	simm.s32 $0x1BF5;
	[smem:$0x3FBB] =	sst s0  }
0x18: {  	s0 =	sld [smem:$0x3F9E];
	_ =	swait.ge [sflag:s4], $0x0  }
0x19: {  	s7 =	sld [smem:$0x3F9F]  }
0x1a: {  	s8 =	sadd.s32 $0xFFFFE003, lr  }
0x1b: {  	s9 =	sadd.s32 $0xFFFFFEF7, lr;
	s5 =	simm.s32 $0xFFFFFFFF;
	p2 =	slt.u32 s8, $0xFFFFF086  }
0x1c: {  	p1 =	slt.u32 s9, $0xF7A;
	s5 =	simm.s32 @!p2 $0x0  }
0x1d: {  	s5 =	simm.s32 @p1 $0x1;
	p0 =	seq.s32 s7, s2  }
0x1e: {  	s7 =	smul.u32 @!p0 $0xF7A, s2;
	p2 =	seq.s32 @!p0 s5, $0x0  }
0x1f: {  	s9 =	smul.u32 $0xF7A, s1;
	s8 =	simm.s32 @!p0 $0x1BF5;
	p2 =	por !p2, p0  }
0x20: {  	[sflag:s8] =	ssyncset.s32 @!p0 $0xFFFFF086;
	s6 =	sadd.s32 @!p0 s3, s7;
	s7 =	simm.s32 @!p0 $0x108  }
0x21: {  	s3 =	sadd.s32 s3, s9;
	s6 =	sadd.s32 @!p0 $0x88, s6;
	s7 =	simm.s32 @p2 $0x1082  }
0x22: {  	[simem:s7], [sflag:s8] =	dma.local @!p0 [hbm:s6], $0xF7A  }
0x23: {  	s9 =	sor.u32 $0xD0000000, s2;
	s6 =	simm.s32 $0x108;
	_ =	swait.ge @!p0 [sflag:s8], $0x0  }
0x24: {  	s3 =	sadd.s32 $0x88, s3;
	s6 =	simm.s32 @!p1 $0x1082;
	[sflag:s4] =	ssyncset.s32 $0xFFFFF086  }
0x25: {  	[simem:s6], [sflag:s4] =	dma.local [hbm:s3], $0xF7A  }
0x26: {  	[smem:$0x3F9F] =	sst s1;
	(tag) =	ssettag s2;
	_ =	strace s9  }
0x27: {  	s1 =	sld [smem:$0x3FAF]  }
0x28: {  	s2 =	sld [smem:$0x3FB0]  }
0x29: {  	s4 =	sld [smem:$0x3FB2]  }
0x2a: {  	p0 =	seq.s32 s5, $0x0;
	s5 =	sld [smem:$0x3FB3]  }
0x2b: {  	s6 =	sld [smem:$0x3FB4]  }
0x2c: {  	s7 =	sld [smem:$0x3FB5]  }
0x2d: {  	s3 =	simm.s32 $0x108;
	s8 =	sld [smem:$0x3FB6]  }
0x2e: {  	s3 =	simm.s32 @!p0 $0x1082;
	s9 =	sld [smem:$0x3FB7]  }
0x2f: {  	lr =	sadd.s32 s0, s3;
	s0 =	sld [smem:$0x3FAE]  }
0x30: {  	s3 =	sld [smem:$0x3FB1]  }
0x31: {  	[smem:$0x3FBA] =	sst s10  }
0x32: {  	s10 =	sld [smem:$0x3FB8];
	_ =	sdelay $0x3  }
0x33: {  	p0 =	seq.s32 s10, $0x1;
	s10 =	sld [smem:$0x3FBA];
	_ =	sdelay $0x3  }
0x34: {  	[smem:$0x3FBA] =	sst s10  }
0x35: {  	s10 =	sld [smem:$0x3FB9];
	_ =	sdelay $0x3  }
0x36: {  	p1 =	seq.s32 s10, $0x1;
	s10 =	sld [smem:$0x3FBA];
	_ =	sdelay $0x3  }
0x37: {  	[smem:$0x3FBA] =	sst s10  }
0x38: {  	s10 =	sld [smem:$0x3FBB]  }
0x39: {  	_ = 	snop;
	(pc) =	sbr.ind lr, $3  }
0x3a: {  	_ = 	snop  }
0x3b: {  	_ = 	snop  }
0x3c: {  	p2 =	seq.s32 s10, $0x1;
	s10 =	sld [smem:$0x3FBA]  }
0x3d: {  	_ =	shalt  }
0x3e: {  	_ =	shalt  }
0x3f: {  	_ =	shalt  }
0x40: {  	_ =	shalt  }
0x41: {  	_ =	shalt  }
0x42: {  	_ =	shalt  }
0x43: {  	_ =	shalt  }
0x44: {  	_ =	shalt  }
0x45: {  	_ =	shalt  }
0x46: {  	_ =	shalt  }
0x47: {  	_ =	shalt  }
0x48: {  	_ =	shalt  }
0x49: {  	_ =	shalt  }
0x4a: {  	_ =	shalt  }
0x4b: {  	_ =	shalt  }
0x4c: {  	_ =	shalt  }
0x4d: {  	_ =	shalt  }
0x4e: {  	_ =	shalt  }
0x4f: {  	_ =	shalt  }
0x50: {  	_ =	shalt  }
0x51: {  	_ =	shalt  }
0x52: {  	_ =	shalt  }
0x53: {  	_ =	shalt  }
0x54: {  	_ =	shalt  }
0x55: {  	_ =	shalt  }
0x56: {  	_ =	shalt  }
0x57: {  	_ =	shalt  }
0x58: {  	_ =	shalt  }
0x59: {  	_ =	shalt  }
0x5a: {  	_ =	shalt  }
0x5b: {  	_ =	shalt  }
0x5c: {  	_ =	shalt  }
0x5d: {  	_ =	shalt  }
0x5e: {  	_ =	shalt  }
0x5f: {  	_ =	shalt  }
0x60: {  	_ =	shalt  }
0x61: {  	_ =	shalt  }
0x62: {  	_ =	shalt  }
0x63: {  	_ =	shalt  }
0x64: {  	_ =	shalt  }
0x65: {  	_ =	shalt  }
0x66: {  	_ =	shalt  }
0x67: {  	_ =	shalt  }
0x68: {  	_ =	shalt  }
0x69: {  	_ =	shalt  }
0x6a: {  	_ =	shalt  }
0x6b: {  	_ =	shalt  }
0x6c: {  	_ =	shalt  }
0x6d: {  	_ =	shalt  }
0x6e: {  	_ =	shalt  }
0x6f: {  	_ =	shalt  }
0x70: {  	_ =	shalt  }
0x71: {  	_ =	shalt  }
0x72: {  	_ =	shalt  }
0x73: {  	_ =	shalt  }
0x74: {  	_ =	shalt  }
0x75: {  	_ =	shalt  }
0x76: {  	_ =	shalt  }
0x77: {  	_ =	shalt  }
0x78: {  	_ =	shalt  }
0x79: {  	_ =	shalt  }
0x7a: {  	_ =	shalt  }
0x7b: {  	_ =	shalt  }
0x7c: {  	_ =	shalt  }
0x7d: {  	_ =	shalt  }
0x7e: {  	_ =	shalt  }
0x7f: {  	_ =	shalt  }
0x80: {  	_ =	shalt  }
0x81: {  	_ =	shalt  }
0x82: {  	_ =	shalt  }
0x83: {  	_ =	shalt  }
0x84: {  	_ =	shalt  }
0x85: {  	_ =	shalt  }
0x86: {  	_ =	shalt  }
0x87: {  	_ =	shalt  }
.Lfunc_end0:
.L_simem_size_0:
called_computation_lowered:
.L_overlay_start_0:
0x88: {  	s2 =	sld [smem:$0x3FD9]  }
0x89: {  	s3 =	sld [smem:$0x3FFE];
	_ =	sdelay $0x1  }
0x8a: {  	s1 =	srdreg.scid  }
0x8b: {  	s0 =	sand.u32 $0x1, s1  }
0x8c: {  	s17 =	sshll.u32 s0, $0xA;
	s2 =	sadd.s32 s3, s2  }
0x8d: {  	s2 =	sadd.s32 s2, s17  }
0x8e: {  	[smem:$0x3FC6] =	sst s2  }
0x8f: {  	_ = 	snop  }
0x90: {  	s2 =	sld [smem:$0x3FC9]  }
0x91: {  	s18 =	sld [smem:$0x3FC8];
	(tm) =	ssettm $0x1  }
0x92: {  	s4 =	sld [smem:$0x3FFB];
	_ =	sdelay $0x3  }
0x93: {  	_ =	strace s4  }
0x94: {  	s4 =	sld [smem:$0x3FFC];
	_ =	sdelay $0x3  }
0x95: {  	_ =	strace s4  }
0x96: {  	s4 =	sld [smem:$0x3FFD];
	_ =	sdelay $0x3  }
0x97: {  	_ =	strace s4  }
0x98: {  	_ =	strace $0x8FFFFFFF  }
0x99: {  	s19 =	sld [smem:$0x3FDB];
	_ =	sdelay $0x1  }
0x9a: {  	s5 =	simm.s32 $_scs_section_size  }
0x9b: {  	s6 =	simm.s32 $_size__tile_overlayer_lowered;
	s7 =	simm.s32 $_tile_overlayer_lowered  }
0x9c: {  	s22 =	simm.s32 $0x1BFF;
	s21 =	sshll.u32 s7, $0x1;
	s4 =	sadd.s32 s5, s19  }
0x9d: {  	s8 =	simm.s32 $0x0;
	s20 =	sshll.u32 s6, $0x1;
	s6 =	sadd.s32 s21, s4  }
0x9e: {  	[timem:s8], [sflag:s22] =	dma.local [hbm:s6], s20  }
0x9f: {  	_ =	swait.ge [sflag:s22], s20  }
0xa0: {  	s5 =	ssub.s32 $0x0, s20;
	[sflag:s22] =	ssyncset.done $0x0  }
0xa1: {  	[sflag:s22] =	ssyncadd.s32 s5;
	_ =	sdelay $0x1  }
0xa2: {  	s23 =	simm.s32 $0x1B8B  }
0xa3: {  	_ =	swait.ge [sflag:s23], $0x1  }
0xa4: {  	[sflag:s23] =	ssyncset.done $0x0  }
0xa5: {  	s25 =	simm.s32 $0x1B8E;
	s24 =	sld [smem:$0x3FFE];
	[sflag:s23] =	ssyncadd.s32 $0xFFFFFFFF  }
0xa6: {  	s26 =	simm.s32 $execute0_lowered;
	[smem:$0x3FD2] =	sst s25  }
0xa7: {  	s6 =	sshll.u32 s26, $0x1;
	_ =	strace $0x80000046;
	[dreg:$0x1] =	wrdreg $0xFFFFFFFF  }
0xa8: {  	s28 =	simm.s32 $_size_execute0_lowered;
	s4 =	sadd.s32 s4, s6;
	[dreg:$0x0] =	wrdreg $0x0  }
0xa9: {  	s6 =	sshll.u32 s28, $0x1;
	[dreg:$0x2] =	wrdreg s4  }
0xaa: {  	[dreg:$0x3] =	wrdreg s6  }
0xab: {  	[dreg:$0x4] =	wrdreg $0xC0  }
0xac: {  	_ =	task [dreg:s8], $0x5FFFF  }
0xad: {  	[dreg:$0x1] =	wrdreg $0xFFFFFFFF  }
0xae: {  	[dreg:$0x0] =	wrdreg $0x60  }
0xaf: {  	[dreg:$0x2] =	wrdreg s2  }
0xb0: {  	[dreg:$0x3] =	wrdreg s18  }
0xb1: {  	[dreg:$0x4] =	wrdreg s24  }
0xb2: {  	[dreg:$0x5] =	wrdreg $0x12800  }
0xb3: {  	[dreg:$0x6] =	wrdreg $0x9  }
0xb4: {  	_ =	task.clear_ibuf [dreg:s8], $0x7FFFF;
	_ =	strace $0x90000046  }
0xb5: {  	s29 =	simm.s32 $0x9;
	_ =	strace $0x80000048  }
0xb6: {  	_ =	swait.ge [sflag:s29], $0x1  }
0xb7: {  	[sflag:s29] =	ssyncadd.s32 $0xFFFFFFFF  }
0xb8: {  	_ =	strace $0x90000048  }
0xb9: {  	_ =	sfence  }
0xba: {  	s30 =	sld [smem:$0x0];
	_ =	sdelay $0x2  }
0xbb: {  	s31 =	sshll.u32 s1, $0xD;
	s1 =	sshrl.u32 s1, $0x2  }
0xbc: {  	s3 =	sand.u32 $0x4000, s31;
	s1 =	sadd.s32 s1, s30  }
0xbd: {  	s0 =	sor.u32 s3, s0;
	s1 =	sshll.u32 s1, $0x11  }
0xbe: {  	s0 =	sor.u32 s1, s0  }
0xbf: {  	s0 =	sadd.s32 $0x8F2B, s0  }
0xc0: {  	[sflag:s0] =	ssyncadd.remote.s32 $0x1  }
0xc1: {  	_ =	sfence.sel $0xFFFF  }
0xc2: {  	[dreg:$0x0] =	wrdreg $0xFFFFFFFF;
	(pc) =	sbr.abs _section_cstart, $3  }
0xc3: {  	[dreg:$0x1] =	wrdreg $0xFFFFFFFF  }
0xc4: {  	_ =	task.clear_ibuf [dreg:s8], $0x2FFFF;
	_ =	strace $0x9FFFFFFF  }
0xc5: {  	(tm) =	ssettm $0x7FFFFFFF  }
tec
execute0_lowered:
.L_overlay_start_1:
0x0: {  	(tag) =	ssettag $0x1  }
0x1: {  	s3 =	rddreg [dreg:$0x0]  }
0x2: {  	s4 =	rddreg [dreg:$0x1]  }
0x3: {  	s5 =	rddreg [dreg:$0x2]  }
0x4: {  	s1 =	rddreg [dreg:$0x3]  }
0x5: {  	s0 =	rddreg [dreg:$0x4];
	s2 =	simm.s32 $0x0  }
0x6: {  	s6 =	srdreg.scid;
	s15 =	simm.s32 $0x100;
	[smem:$0x7FF] =	sst s2  }
0x7: {  	s16 =	simm.s32 $0x180;
	_ =	strace $0x80000047;
	[dreg:$0x8] =	wrdreg s15  }
0x8: {  	s7 =	stileid.u32;
	s18 =	simm.s32 $0x200;
	[dreg:$0x9] =	wrdreg s16  }
0x9: {  	s19 =	simm.s32 $0x280;
	s20 =	simm.s32 $0x300;
	[dreg:$0xa] =	wrdreg s18  }
0xa: {  	s22 =	simm.s32 $0x380;
	s23 =	simm.s32 $0x400;
	[dreg:$0xb] =	wrdreg s19  }
0xb: {  	s25 =	simm.s32 $0x480;
	s26 =	simm.s32 $0x500;
	[dreg:$0xc] =	wrdreg s20  }
0xc: {  	s28 =	simm.s32 $0x580;
	s29 =	simm.s32 $0x600;
	[dreg:$0xd] =	wrdreg s22  }
0xd: {  	s30 =	simm.s32 $0x680;
	s31 =	simm.s32 $0x700;
	[dreg:$0xe] =	wrdreg s23  }
0xe: {  	s6 =	sand.u32 $0x1, s6;
	s8 =	sshll.u32 s7, $0x1;
	[dreg:$0xf] =	wrdreg s25  }
0xf: {  	s10 =	sshll.u32 s7, $0x6;
	p0 =	sne.s32 s7, $0x0;
	[dreg:$0x10] =	wrdreg s26  }
0x10: {  	s7 =	simm.s32 $0x780;
	s8 =	sor.u32 s6, s8;
	[dreg:$0x11] =	wrdreg s28  }
0x11: {  	s11 =	sshll.u32 s6, $0x1;
	s12 =	sshrl.u32 s10, $0x2;
	[dreg:$0x12] =	wrdreg s29  }
0x12: {  	s17 =	ssub.s32 $0x2, s6;
	s21 =	sand.u32 $0x380, s10;
	[dreg:$0x13] =	wrdreg s30  }
0x13: {  	[dreg:$0x14] =	wrdreg s31;
	s10 =	simm.s32 $0x900;
	s15 =	simm.s32 $0xB80  }
0x14: {  	s16 =	simm.s32 $0xC00;
	s18 =	simm.s32 $0xD00;
	s19 =	simm.s32 $0xD80  }
0x15: {  	s20 =	simm.s32 $0xE00;
	s22 =	simm.s32 $0xF00;
	s23 =	simm.s32 $0xF80  }
0x16: {  	s25 =	simm.s32 $0x1;
	s26 =	simm.s32 $0x1080;
	s9 =	sshll.u32 s8, $0x2  }
0x17: {  	v5 =	vlaneseq.u32;
	v2 =	vimm.s32 $0x7;
	s5 =	sadd.s32 s11, s5;
	s13 =	sadd.s32 s12, s1;
	s6 =	sshrl.u32 s17, $0x1  }
0x18: {  	v3 =	vimm.s32 $0x3;
	v4 =	vimm.s32 $0x0;
	vm0 =	vmmov $0x1;
	s3 =	sadd.s32 s3, s21;
	s24 =	sshll.u32 s8, $0x5;
	s11 =	simm.s32 $0x980  }
0x19: {  	v6 =	vimm.s32 $0x1;
	v7 =	vimm.s32 $0x2;
	v8 =	vimm.s32 $0x4;
	s12 =	simm.s32 $0xA00;
	s21 =	simm.s32 $0xE80;
	s4 =	sadd.s32 s4, s9  }
0x1a: {  	v9 =	vimm.s32 $0x5;
	v10 =	vimm.s32 $0x6;
	v11 =	vimm.s32 $0x8;
	[dreg:$0x6] =	wrdreg s13;
	s14 =	sadd.s32 $0x600, s5;
	s5 =	ssub.s32 s17, s6  }
0x1b: {  	v12 =	vimm.s32 $0x9;
	v13 =	vimm.s32 $0xA;
	v0 =	vmul.u32 $0x81, v5;
	s8 =	sand.u32 $0x60, s24;
	s6 =	simm.s32 $0x80;
	s9 =	simm.s32 $0x880  }
0x1c: {  	v14 =	vimm.s32 $0xB;
	v15 =	vimm.s32 $0xC;
	v16 =	vimm.s32 $0xD;
	s13 =	simm.s32 $0xA80;
	s17 =	simm.s32 $0xC80;
	[dreg:$0x5] =	wrdreg s4  }
0x1d: {  	v17 =	vimm.s32 $0xE;
	v18 =	vimm.s32 $0xF;
	v1 =	vadd.s32 $0x810, v0;
	s24 =	simm.s32 $0x1000;
	[dreg:$0x7] =	wrdreg s14;
	s4 =	smax.u32 s5, $0x1  }
0x1e: {  	v5 =	vmul.u32 $0x8, v5;
	s5 =	simm.s32 $0x2;
	v0 =	vor.u32 s8, v0;
	v1 =	vor.u32 s8, v1;
	s8 =	simm.s32 $0x800;
	s14 =	simm.s32 $0xB00  }
.LBB2_1:
0x1f: {  	s28 =	rddreg [dreg:$0x5]  }
0x20: {  	[tilespmem:s2], [sflag:$0x2] =	stream.linear.gather [hbm4b:s28+s2], $0x20, $0x38;
	[tilespmem:$0x1290] =	vst v63  }
0x21: {  	_ =	swait.ge [sflag:s5], $0x20  }
0x22: {  	[sflag:s5] =	ssyncset.done $0x0  }
0x23: {  	[sflag:s5] =	ssyncadd.s32 $0xFFFFFFE0  }
0x24: {  	v19 =	vld [tilespmem:$0x0];
	_ =	sdelay $0x4  }
0x25: {  	v20 =	vshll.u32 v19, $0x3  }
0x26: {  	v19 =	vand.u32 $0x7, v19;
	v20 =	vand.u32 $0xFFFFFFC0, v20  }
0x27: {  	v19 =	vor.u32 v19, v20  }
0x28: {  	v20 =	vperm.xlane v19, v4;
	_ =	sdelay $0x1  }
0x29: {  	v21 =	vperm.xlane v19, v6;
	v20 =	vadd.s32 v5, v20;
	_ =	sdelay $0x1  }
0x2a: {  	v22 =	vperm.xlane v19, v7;
	v21 =	vadd.s32 v5, v21;
	_ =	sdelay $0x1  }
0x2b: {  	v23 =	vperm.xlane v19, v3;
	v22 =	vadd.s32 v5, v22  }
0x2c: {  	[tilespmem:s6], [sflag:$0x1] =	stream.indirect_vreg.gather [hbm4b:s3+s2], $0x80, v20, vm0, $0xb8;
	[tilespmem:$0x1290] =	vst v63  }
0x2d: {  	s31 =	rddreg [dreg:$0x8];
	v63 =	vperm.xlane v19, v8;
	v20 =	vadd.s32 v5, v23  }
0x2e: {  	[tilespmem:s31], [sflag:$0x1] =	stream.indirect_vreg.gather [hbm4b:s3+s2], $0x80, v21, vm0, $0xb8;
	[tilespmem:$0x1290] =	vst v63  }
0x2f: {  	s29 =	rddreg [dreg:$0x9];
	v25 =	vperm.xlane v19, v9;
	v24 =	vadd.s32 v5, v63  }
0x30: {  	[tilespmem:s29], [sflag:$0x1] =	stream.indirect_vreg.gather [hbm4b:s3+s2], $0x80, v22, vm0, $0xb8;
	[tilespmem:$0x1290] =	vst v63  }
0x31: {  	s30 =	rddreg [dreg:$0xa];
	v27 =	vperm.xlane v19, v10;
	v26 =	vadd.s32 v5, v25  }
0x32: {  	[tilespmem:s30], [sflag:$0x1] =	stream.indirect_vreg.gather [hbm4b:s3+s2], $0x80, v20, vm0, $0xb8;
	[tilespmem:$0x1290] =	vst v63  }
0x33: {  	v28 =	vperm.xlane v19, v2;
	s31 =	rddreg [dreg:$0xb];
	v20 =	vadd.s32 v5, v27  }
0x34: {  	[tilespmem:s31], [sflag:$0x1] =	stream.indirect_vreg.gather [hbm4b:s3+s2], $0x80, v24, vm0, $0xb8;
	[tilespmem:$0x1290] =	vst v63  }
0x35: {  	v30 =	vperm.xlane v19, v11;
	v29 =	vadd.s32 v5, v28;
	s30 =	rddreg [dreg:$0xc]  }
0x36: {  	[tilespmem:s30], [sflag:$0x1] =	stream.indirect_vreg.gather [hbm4b:s3+s2], $0x80, v26, vm0, $0xb8;
	[tilespmem:$0x1290] =	vst v63  }
0x37: {  	v32 =	vperm.xlane v19, v12;
	v31 =	vadd.s32 v5, v30;
	s31 =	rddreg [dreg:$0xd]  }
0x38: {  	[tilespmem:s31], [sflag:$0x1] =	stream.indirect_vreg.gather [hbm4b:s3+s2], $0x80, v20, vm0, $0xb8;
	[tilespmem:$0x1290] =	vst v63  }
0x39: {  	v33 =	vperm.xlane v19, v13;
	s30 =	rddreg [dreg:$0xe];
	v20 =	vadd.s32 v5, v32  }
0x3a: {  	[tilespmem:s30], [sflag:$0x1] =	stream.indirect_vreg.gather [hbm4b:s3+s2], $0x80, v29, vm0, $0xb8;
	[tilespmem:$0x1290] =	vst v63  }
0x3b: {  	v35 =	vperm.xlane v19, v14;
	v34 =	vadd.s32 v5, v33;
	s31 =	rddreg [dreg:$0xf]  }
0x3c: {  	[tilespmem:s31], [sflag:$0x1] =	stream.indirect_vreg.gather [hbm4b:s3+s2], $0x80, v31, vm0, $0xb8;
	[tilespmem:$0x1290] =	vst v63  }
0x3d: {  	v37 =	vperm.xlane v19, v15;
	v36 =	vadd.s32 v5, v35;
	s30 =	rddreg [dreg:$0x10]  }
0x3e: {  	[tilespmem:s30], [sflag:$0x1] =	stream.indirect_vreg.gather [hbm4b:s3+s2], $0x80, v20, vm0, $0xb8;
	[tilespmem:$0x1290] =	vst v63  }
0x3f: {  	v38 =	vperm.xlane v19, v16;
	s31 =	rddreg [dreg:$0x11];
	v20 =	vadd.s32 v5, v37  }
0x40: {  	[tilespmem:s31], [sflag:$0x1] =	stream.indirect_vreg.gather [hbm4b:s3+s2], $0x80, v34, vm0, $0xb8;
	[tilespmem:$0x1290] =	vst v63  }
0x41: {  	v40 =	vperm.xlane v19, v17;
	v39 =	vadd.s32 v5, v38;
	s30 =	rddreg [dreg:$0x12]  }
0x42: {  	[tilespmem:s30], [sflag:$0x1] =	stream.indirect_vreg.gather [hbm4b:s3+s2], $0x80, v36, vm0, $0xb8;
	[tilespmem:$0x1290] =	vst v63  }
0x43: {  	v19 =	vperm.xlane v19, v18;
	v41 =	vadd.s32 v5, v40;
	s31 =	rddreg [dreg:$0x13]  }
0x44: {  	[tilespmem:s31], [sflag:$0x1] =	stream.indirect_vreg.gather [hbm4b:s3+s2], $0x80, v20, vm0, $0xb8;
	[tilespmem:$0x1290] =	vst v63  }
0x45: {  	v19 =	vadd.s32 v5, v19;
	s30 =	rddreg [dreg:$0x14]  }
0x46: {  	[tilespmem:s30], [sflag:$0x1] =	stream.indirect_vreg.gather [hbm4b:s3+s2], $0x80, v39, vm0, $0xb8;
	[tilespmem:$0x1290] =	vst v63  }
0x47: {  	_ = 	snop  }
0x48: {  	[tilespmem:s7], [sflag:$0x1] =	stream.indirect_vreg.gather [hbm4b:s3+s2], $0x80, v41, vm0, $0xb8;
	[tilespmem:$0x1290] =	vst v63  }
0x49: {  	_ = 	snop  }
0x4a: {  	[tilespmem:s8], [sflag:$0x1] =	stream.indirect_vreg.gather [hbm4b:s3+s2], $0x80, v19, vm0, $0xb8;
	[tilespmem:$0x1290] =	vst v63  }
0x4b: {  	v19 =	vld [tilespmem:$0x10];
	_ =	sdelay $0x4  }
0x4c: {  	v20 =	vshll.u32 v19, $0x3  }
0x4d: {  	v19 =	vand.u32 $0x7, v19;
	v20 =	vand.u32 $0xFFFFFFC0, v20  }
0x4e: {  	v19 =	vor.u32 v19, v20  }
0x4f: {  	v20 =	vperm.xlane v19, v4;
	_ =	sdelay $0x1  }
0x50: {  	v42 =	vperm.xlane v19, v6;
	v20 =	vadd.s32 v5, v20;
	_ =	sdelay $0x1  }
0x51: {  	v43 =	vperm.xlane v19, v7;
	v21 =	vadd.s32 v5, v42;
	_ =	sdelay $0x1  }
0x52: {  	v44 =	vperm.xlane v19, v3;
	v22 =	vadd.s32 v5, v43  }
0x53: {  	[tilespmem:s9], [sflag:$0x1] =	stream.indirect_vreg.gather [hbm4b:s3+s2], $0x80, v20, vm0, $0xb8;
	[tilespmem:$0x1290] =	vst v63  }
0x54: {  	v45 =	vperm.xlane v19, v8;
	v20 =	vadd.s32 v5, v44  }
0x55: {  	[tilespmem:s10], [sflag:$0x1] =	stream.indirect_vreg.gather [hbm4b:s3+s2], $0x80, v21, vm0, $0xb8;
	[tilespmem:$0x1290] =	vst v63  }
0x56: {  	v47 =	vperm.xlane v19, v9;
	v46 =	vadd.s32 v5, v45  }
0x57: {  	[tilespmem:s11], [sflag:$0x1] =	stream.indirect_vreg.gather [hbm4b:s3+s2], $0x80, v22, vm0, $0xb8;
	[tilespmem:$0x1290] =	vst v63  }
0x58: {  	v49 =	vperm.xlane v19, v10;
	v48 =	vadd.s32 v5, v47  }
0x59: {  	[tilespmem:s12], [sflag:$0x1] =	stream.indirect_vreg.gather [hbm4b:s3+s2], $0x80, v20, vm0, $0xb8;
	[tilespmem:$0x1290] =	vst v63  }
0x5a: {  	v50 =	vperm.xlane v19, v2;
	v20 =	vadd.s32 v5, v49  }
0x5b: {  	[tilespmem:s13], [sflag:$0x1] =	stream.indirect_vreg.gather [hbm4b:s3+s2], $0x80, v46, vm0, $0xb8;
	[tilespmem:$0x1290] =	vst v63  }
0x5c: {  	v52 =	vperm.xlane v19, v11;
	v51 =	vadd.s32 v5, v50  }
0x5d: {  	[tilespmem:s14], [sflag:$0x1] =	stream.indirect_vreg.gather [hbm4b:s3+s2], $0x80, v48, vm0, $0xb8;
	[tilespmem:$0x1290] =	vst v63  }
0x5e: {  	v54 =	vperm.xlane v19, v12;
	v53 =	vadd.s32 v5, v52  }
0x5f: {  	[tilespmem:s15], [sflag:$0x1] =	stream.indirect_vreg.gather [hbm4b:s3+s2], $0x80, v20, vm0, $0xb8;
	[tilespmem:$0x1290] =	vst v63  }
0x60: {  	v55 =	vperm.xlane v19, v13;
	v20 =	vadd.s32 v5, v54  }
0x61: {  	[tilespmem:s16], [sflag:$0x1] =	stream.indirect_vreg.gather [hbm4b:s3+s2], $0x80, v51, vm0, $0xb8;
	[tilespmem:$0x1290] =	vst v63  }
0x62: {  	v57 =	vperm.xlane v19, v14;
	v56 =	vadd.s32 v5, v55  }
0x63: {  	[tilespmem:s17], [sflag:$0x1] =	stream.indirect_vreg.gather [hbm4b:s3+s2], $0x80, v53, vm0, $0xb8;
	[tilespmem:$0x1290] =	vst v63  }
0x64: {  	v59 =	vperm.xlane v19, v15;
	v58 =	vadd.s32 v5, v57  }
0x65: {  	[tilespmem:s18], [sflag:$0x1] =	stream.indirect_vreg.gather [hbm4b:s3+s2], $0x80, v20, vm0, $0xb8;
	[tilespmem:$0x1290] =	vst v63  }
0x66: {  	v60 =	vperm.xlane v19, v16;
	v20 =	vadd.s32 v5, v59  }
0x67: {  	[tilespmem:s19], [sflag:$0x1] =	stream.indirect_vreg.gather [hbm4b:s3+s2], $0x80, v56, vm0, $0xb8;
	[tilespmem:$0x1290] =	vst v63  }
0x68: {  	v62 =	vperm.xlane v19, v17;
	v61 =	vadd.s32 v5, v60  }
0x69: {  	[tilespmem:s20], [sflag:$0x1] =	stream.indirect_vreg.gather [hbm4b:s3+s2], $0x80, v58, vm0, $0xb8;
	[tilespmem:$0x1290] =	vst v63  }
0x6a: {  	v19 =	vperm.xlane v19, v18;
	v63 =	vadd.s32 v5, v62  }
0x6b: {  	[tilespmem:s21], [sflag:$0x1] =	stream.indirect_vreg.gather [hbm4b:s3+s2], $0x80, v20, vm0, $0xb8;
	[tilespmem:$0x1290] =	vst v63  }
0x6c: {  	v19 =	vadd.s32 v5, v19  }
0x6d: {  	[tilespmem:s22], [sflag:$0x1] =	stream.indirect_vreg.gather [hbm4b:s3+s2], $0x80, v61, vm0, $0xb8;
	[tilespmem:$0x1290] =	vst v63  }
0x6e: {  	_ = 	snop  }
0x6f: {  	[tilespmem:s23], [sflag:$0x1] =	stream.indirect_vreg.gather [hbm4b:s3+s2], $0x80, v63, vm0, $0xb8;
	[tilespmem:$0x1290] =	vst v63  }
0x70: {  	_ = 	snop  }
0x71: {  	[tilespmem:s24], [sflag:$0x1] =	stream.indirect_vreg.gather [hbm4b:s3+s2], $0x80, v19, vm0, $0xb8;
	[tilespmem:$0x1290] =	vst v63  }
0x72: {  	_ =	swait.ge [sflag:s25], $0x1000  }
0x73: {  	[sflag:s25] =	ssyncset.done $0x0  }
0x74: {  	[sflag:s25] =	ssyncadd.s32 $0xFFFFF000  }
0x75: {  	v19 =	vld.idx.msk [tilespmem:v0+s6+$0x0], $0xffff  }
0x76: {  	v20 =	vld.idx.msk [tilespmem:v1+s6+$0x0], $0xffff;
	_ =	sdelay $0x4  }
0x77: {  	v19 =	vadd.f32 v20, v19;
	_ =	sdelay $0x1  }
0x78: {  	s31 =	rddreg [dreg:$0x6];
	[tilespmem:$0x1080] =	vst v19  }
0x79: {  	[spmem:s31] =	stream.linear.scatter [tilespmem:s26], [sflag:$0x2], $0x10, $0x38;
	[tilespmem:$0x1290] =	vst v63  }
0x7a: {  	_ =	swait.ge [sflag:s5], $0x10  }
0x7b: {  	[sflag:s5] =	ssyncset.done $0x0  }
0x7c: {  	[sflag:s5] =	ssyncadd.s32 $0xFFFFFFF0  }
0x7d: {  	s28 =	simm.s32 @!p0 $0x1100;
	[bflag:$0x0] =	sbarrier.arrive $0xFFFF  }
0x7e: {  	[tilespmem:s28], [sflag:$0x2] =	stream.linear.gather @!p0 [spmem:s1], $0x100, $0x38;
	[tilespmem:$0x1290] =	vst v63  }
0x7f: {  	s28 =	simm.s32 @!p0 $0x2  }
0x80: {  	_ =	swait.ge @!p0 [sflag:s28], $0x100  }
0x81: {  	[sflag:s28] =	ssyncset.done @!p0 $0x0  }
0x82: {  	[sflag:s28] =	ssyncadd.s32 @!p0 $0xFFFFFF00  }
0x83: {  	v19 =	vld @!p0 [tilespmem:$0x1100]  }
0x84: {  	v20 =	vld @!p0 [tilespmem:$0x1110];
	_ =	sdelay $0x1  }
0x85: {  	v21 =	vld @!p0 [tilespmem:$0x1120];
	_ =	sdelay $0x1  }
0x86: {  	v22 =	vld @!p0 [tilespmem:$0x1130]  }
0x87: {  	v19 =	vadd.f32 @!p0 v20, v19  }
0x88: {  	v20 =	vld @!p0 [tilespmem:$0x1140]  }
0x89: {  	v19 =	vadd.f32 @!p0 v21, v19  }
0x8a: {  	v21 =	vld @!p0 [tilespmem:$0x1150]  }
0x8b: {  	v19 =	vadd.f32 @!p0 v22, v19  }
0x8c: {  	v22 =	vld @!p0 [tilespmem:$0x1160]  }
0x8d: {  	v19 =	vadd.f32 @!p0 v20, v19  }
0x8e: {  	v20 =	vld @!p0 [tilespmem:$0x1170]  }
0x8f: {  	v19 =	vadd.f32 @!p0 v21, v19  }
0x90: {  	v21 =	vld @!p0 [tilespmem:$0x1180]  }
0x91: {  	v19 =	vadd.f32 @!p0 v22, v19  }
0x92: {  	v22 =	vld @!p0 [tilespmem:$0x1190]  }
0x93: {  	v19 =	vadd.f32 @!p0 v20, v19  }
0x94: {  	v20 =	vld @!p0 [tilespmem:$0x11A0]  }
0x95: {  	v19 =	vadd.f32 @!p0 v21, v19  }
0x96: {  	v21 =	vld @!p0 [tilespmem:$0x11B0]  }
0x97: {  	v19 =	vadd.f32 @!p0 v22, v19  }
0x98: {  	v22 =	vld @!p0 [tilespmem:$0x11C0]  }
0x99: {  	v19 =	vadd.f32 @!p0 v20, v19  }
0x9a: {  	v20 =	vld @!p0 [tilespmem:$0x11D0]  }
0x9b: {  	v19 =	vadd.f32 @!p0 v21, v19  }
0x9c: {  	v21 =	vld @!p0 [tilespmem:$0x11E0]  }
0x9d: {  	v19 =	vadd.f32 @!p0 v22, v19  }
0x9e: {  	v22 =	vld @!p0 [tilespmem:$0x11F0]  }
0x9f: {  	v19 =	vadd.f32 @!p0 v20, v19;
	_ =	sdelay $0x1  }
0xa0: {  	v19 =	vadd.f32 @!p0 v21, v19;
	_ =	sdelay $0x1  }
0xa1: {  	v19 =	vadd.f32 @!p0 v22, v19;
	_ =	sdelay $0x1  }
0xa2: {  	v19 =	vmul.f32 @!p0 $-9.765625000e-04, v19;
	_ =	sdelay $0x1  }
0xa3: {  	(xrf2) =	vadd.scan.msk.f32 @!p0 $0xffff, v19;
	_ =	sdelay $0x8  }
0xa4: {  	s4 =	sadd.s32 $0xFFFFFFFF, s4  }
0xa5: {  	p1 =	sne.s32 s4, $0x0;
	s30 =	simm.s32 @!p0 $0x0;
	v19, _, _ =	vpop @!p0 (xrf2)  }
.Ltmp0:
0xa6: {  	s31 =	simm.s32 @!p0 $0x1200;
	s29 =	rddreg [dreg:$0x7];
	[tilespmem:$0x1200] =	vst @!p0 v19;
	(pc) =	sbr.rel @p1 .LBB2_1-.Ltmp0, $4  }
0xa7: {  	[hbm4b:s29+s30] =	stream.linear.scatter @!p0 [tilespmem:s31], [sflag:$0x2], $0x10, $0x38;
	[tilespmem:$0x1290] =	vst v63  }
0xa8: {  	_ =	swait.ge @!p0 [sflag:s28], $0x10  }
0xa9: {  	[sflag:s28] =	ssyncset.done @!p0 $0x0  }
0xaa: {  	[sflag:s28] =	ssyncadd.s32 @!p0 $0xFFFFFFF0  }
0xab: {  	_ =	sfence.sel $0x180000  }
0xac: {  	[bflag:$0x0] =	sbarrier.arrive $0xFFFF  }
0xad: {  	_ =	strace $0x90000047  }
0xae: {  	s0 =	sadd.s32 @!p0 $0x100000, s0;
	[bflag:$0x2] =	sbarrier.arrive $0xFFFF  }
0xaf: {  	[sflag:s0] =	ssyncadd.tile.s32 @!p0 $0x1;
	_ =	shalt  }
.Lfunc_end2:
_tile_overlayer_lowered:
.L_overlay_start_2:
0xb0: {  	(tag) =	ssettag $0x2  }
0xb1: {  	s0 =	rddreg [dreg:$0x0];
	s2 =	stileid.u32  }
0xb2: {  	s1 =	rddreg [dreg:$0x1];
	p0 =	sne.s32 s2, $0x0  }
0xb3: {  	s3 =	rddreg [dreg:$0x2];
	[bflag:$0x3] =	sbarrier.arrive $0xFFFF;
	s2 =	simm.s32 @!p0 $0x1C02  }
0xb4: {  	[timem:s3], [sflag:s2] =	dma.local @!p0 [hbm:s0], s1  }
0xb5: {  	s0 =	simm.s32 @!p0 $0x2  }
0xb6: {  	_ =	swait.ge @!p0 [sflag:s0], s1  }
0xb7: {  	s1 =	ssub.s32 @!p0 $0x0, s1;
	[sflag:s0] =	ssyncset.done @!p0 $0x0  }
0xb8: {  	[sflag:s0] =	ssyncadd.s32 @!p0 s1  }
0xb9: {  	[bflag:$0x3] =	sbarrier.arrive $0xFFFF  }
0xba: {  	_ =	shalt  }

</sc_bundles>
